<compile_context>
chip_gen: v7x
topology: tpu7x:2x2x1
jax: 0.10.2.dev20260603
libtpu: 0.0.44.dev20260713+nightly
codegen_flags: <defaults>
</compile_context>

<pallas_src>
import jax
import jax.numpy as jnp
from jax import lax
from jax.experimental import pallas as pl
from jax.experimental.pallas import tpu as pltpu
from jax.experimental.pallas import tpu_sc as plsc

B = 128
N = 1_000_000
NC, NS, L = 2, 16, 16
NW = NC * NS
RPW = B // NW
D = 2048
NIDX = 16
TROWS = B * N // D
WPW = 122


def _probe_body(pred, tgt, out, buf0, buf1, stage, sem0, sem1):
    cid = lax.axis_index("c")
    sid = lax.axis_index("s")
    wid = cid * NS + sid
    base_row = wid * 1953
    lane = lax.iota(jnp.int32, L)

    bufs = (buf0, buf1)
    sems = (sem0, sem1)

    def gather_start(w, slot):
        idxv = lane + (base_row + w * NIDX)
        pltpu.async_copy(pred.at[idxv], bufs[slot], sems[slot])

    def gather_wait(w, slot):
        idxv = lane + (base_row + w * NIDX)
        pltpu.make_async_copy(pred.at[idxv], bufs[slot], sems[slot]).wait()

    gather_start(0, 0)

    def dstep(d_, acc):
        wA = 2 * d_
        gather_wait(wA, 0)
        gather_start(wA + 1, 1)
        acc = jnp.maximum(acc, buf0[0, pl.ds(0, L)])
        gather_wait(wA + 1, 1)
        gather_start(jnp.minimum(wA + 2, WPW - 1), 0)
        acc = jnp.maximum(acc, buf1[0, pl.ds(0, L)])
        return acc

    acc = lax.fori_loop(0, WPW // 2, dstep, jnp.zeros((L,), jnp.float32))
    gather_wait(WPW - 1, 0)

    stage[...] = acc
    pltpu.sync_copy(stage, out.at[wid])


@jax.jit
def kernel(pred, target):
    mesh = plsc.VectorSubcoreMesh(core_axis_name="c", subcore_axis_name="s")
    run = pl.kernel(
        _probe_body,
        out_type=jax.ShapeDtypeStruct((NW, L), jnp.float32),
        mesh=mesh,
        scratch_types=[
            pltpu.VMEM((NIDX, D), jnp.float32),
            pltpu.VMEM((NIDX, D), jnp.float32),
            pltpu.VMEM((L,), jnp.float32),
            pltpu.SemaphoreType.DMA,
            pltpu.SemaphoreType.DMA,
        ],
    )
    partials = run(pred.reshape(TROWS, D), target.astype(jnp.int32))
    return jnp.sum(partials[:, :1], axis=0)

# --- scband reference (transcript-rebuilt; emitter-appended) ---
"""Pipeline reference for scband-accuracy-18863496364456 (READ-ONLY COPY).

The authoritative reference and input builder live on the scoring server;
editing this copy changes nothing except your own understanding.
"""

import jax, jax.numpy as jnp
import numpy as np

def setup_inputs(seed: int = 0) -> dict:
    key = jax.random.key(seed)
    k1, k2 = jax.random.split(key)
    pred = jax.random.normal(k1, (128, 1000000), dtype=jnp.float32)
    target = jax.random.randint(k2, (128,), 0, 1000000, dtype=jnp.int64 if jax.config.jax_enable_x64 else jnp.int32)
    return {"pred": pred, "target": target}

def reference(pred, target):
    # topk = (1,), return_single=True
    maxk = 1
    _, pred_label = jax.lax.top_k(pred, maxk)  # [B, maxk]
    pred_label = pred_label.T  # [maxk, B]
    correct = (pred_label == target.reshape(1, -1).astype(pred_label.dtype))  # [maxk, B]
    k = 1
    correct_k = correct[:k].reshape(-1).astype(jnp.float32).sum(keepdims=True)  # shape [1]
    return correct_k

if __name__ == "__main__":
    import jax
    _d = setup_inputs()
    print(jax.jit(kernel)(*tuple(_d.values())))

</pallas_src>

<mosaic_0001>
#map = affine_map<(d0, d1) -> (0, 0)>
#map1 = affine_map<(d0, d1) -> (0)>
module attributes {stable_mosaic.version = 14 : i64} {
  func.func @_probe_body(%arg0: i32, %arg1: i32, %arg2: memref<62500x2048xf32, #tpu.memory_space<hbm>>, %arg3: memref<128xi32, #tpu.memory_space<hbm>>, %arg4: memref<32x16xf32, #tpu.memory_space<hbm>>, %arg5: memref<16x2048xf32, #tpu.memory_space<vmem>>, %arg6: memref<16x2048xf32, #tpu.memory_space<vmem>>, %arg7: memref<16xf32, #tpu.memory_space<vmem>>, %arg8: memref<!tpu.dma_semaphore, #tpu.memory_space<semaphore_mem>>, %arg9: memref<!tpu.dma_semaphore, #tpu.memory_space<semaphore_mem>>) attributes {dimension_semantics = [#tpu.dimension_semantics<core_parallel>, #tpu.dimension_semantics<subcore_parallel>], iteration_bounds = array<i64: 2, 16>, scalar_prefetch = 0 : i64, scratch_operands = 5 : i64, tpu.core_type = #tpu.core_type<sc_vector_subcore>, window_params = [{transform_indices = #map}, {transform_indices = #map1}, {transform_indices = #map}]} {
    %mul3A = arith.constant 16 : i32
    %mul3A_0 = arith.muli %arg0, %mul3A : i32
    %add3A = arith.addi %mul3A_0, %arg1 : i32
    %mul3A_1 = arith.constant 1953 : i32
    %mul3A_2 = arith.muli %add3A, %mul3A_1 : i32
    %iota3A = tpu.iota {dimensions = array<i32: 0>} : vector<16xi32>
    %add3A_3 = arith.constant 0 : i32
    %add3A_4 = arith.addi %mul3A_2, %add3A_3 : i32
    %add3A_5 = vector.broadcast %add3A_4 : i32 to vector<16xi32>
    %add3A_6 = arith.addi %iota3A, %add3A_5 : vector<16xi32>
    %dma_start3A = arith.constant 0 : i32
    %dma_start3A_7 = arith.constant 0 : i32
    %dma_start3A_8 = tpu.memref_slice %arg2[%dma_start3A, %dma_start3A_7] : memref<62500x2048xf32, #tpu.memory_space<hbm>> -> memref<62500x2048xf32, #tpu.memory_space<hbm>>
    tpu.enqueue_indirect_dma source(%dma_start3A_8 : memref<62500x2048xf32, #tpu.memory_space<hbm>>) target(%arg5 : memref<16x2048xf32, #tpu.memory_space<vmem>>) offsets(%add3A_6 : vector<16xi32>) semaphore(%arg8 : memref<!tpu.dma_semaphore, #tpu.memory_space<semaphore_mem>>)
    %broadcast_in_dim3A = arith.constant 0.000000e+00 : f32
    %broadcast_in_dim3A_9 = vector.broadcast %broadcast_in_dim3A : f32 to vector<16xf32>
    %scan3A = arith.constant 0 : i32
    %scan3A_10 = arith.constant 61 : i32
    %scan3A_11 = arith.addi %scan3A, %scan3A_10 : i32
    %scan3A_12 = arith.constant 1 : i32
    %scan3A_13 = scf.for %scan3A_24 = %scan3A to %scan3A_11 step %scan3A_12 iter_args(%scan3A_25 = %broadcast_in_dim3A_9) -> (vector<16xf32>)  : i32 {
      %mul3A_26 = arith.constant 2 : i32
      %mul3A_27 = arith.muli %mul3A_26, %scan3A_24 : i32
      %mul3A_28 = arith.constant 16 : i32
      %mul3A_29 = arith.muli %mul3A_27, %mul3A_28 : i32
      %add3A_30 = arith.addi %mul3A_2, %mul3A_29 : i32
      %add3A_31 = vector.broadcast %add3A_30 : i32 to vector<16xi32>
      %add3A_32 = arith.addi %iota3A, %add3A_31 : vector<16xi32>
      %dma_wait3A_33 = arith.constant 0 : i32
      %dma_wait3A_34 = arith.constant 0 : i32
      %dma_wait3A_35 = tpu.memref_slice %arg2[%dma_wait3A_33, %dma_wait3A_34] : memref<62500x2048xf32, #tpu.memory_space<hbm>> -> memref<62500x2048xf32, #tpu.memory_space<hbm>>
      tpu.wait_indirect_dma semaphore(%arg8 : memref<!tpu.dma_semaphore, #tpu.memory_space<semaphore_mem>>) src(%dma_wait3A_35 : memref<62500x2048xf32, #tpu.memory_space<hbm>>) dst(%arg5 : memref<16x2048xf32, #tpu.memory_space<vmem>>)
      %add3A_36 = arith.constant 1 : i32
      %add3A_37 = arith.addi %mul3A_27, %add3A_36 : i32
      %mul3A_38 = arith.constant 16 : i32
      %mul3A_39 = arith.muli %add3A_37, %mul3A_38 : i32
      %add3A_40 = arith.addi %mul3A_2, %mul3A_39 : i32
      %add3A_41 = vector.broadcast %add3A_40 : i32 to vector<16xi32>
      %add3A_42 = arith.addi %iota3A, %add3A_41 : vector<16xi32>
      %dma_start3A_43 = arith.constant 0 : i32
      %dma_start3A_44 = arith.constant 0 : i32
      %dma_start3A_45 = tpu.memref_slice %arg2[%dma_start3A_43, %dma_start3A_44] : memref<62500x2048xf32, #tpu.memory_space<hbm>> -> memref<62500x2048xf32, #tpu.memory_space<hbm>>
      tpu.enqueue_indirect_dma source(%dma_start3A_45 : memref<62500x2048xf32, #tpu.memory_space<hbm>>) target(%arg6 : memref<16x2048xf32, #tpu.memory_space<vmem>>) offsets(%add3A_42 : vector<16xi32>) semaphore(%arg9 : memref<!tpu.dma_semaphore, #tpu.memory_space<semaphore_mem>>)
      %get3A = arith.constant 0 : i32
      %get3A_46 = arith.index_cast %get3A : i32 to index
      %get3A_47 = arith.constant 0 : index
      %get3A_48 = tpu.vector_load %arg5[%get3A_46, %get3A_47] {strides = array<i32>} : memref<16x2048xf32, #tpu.memory_space<vmem>>, vector<1x16xf32>,
      %get3A_49 = vector.shape_cast %get3A_48 : vector<1x16xf32> to vector<16xf32>
      %max3A = arith.maximumf %scan3A_25, %get3A_49 : vector<16xf32>
      %add3A_50 = arith.constant 1 : i32
      %add3A_51 = arith.addi %mul3A_27, %add3A_50 : i32
      %mul3A_52 = arith.constant 16 : i32
      %mul3A_53 = arith.muli %add3A_51, %mul3A_52 : i32
      %add3A_54 = arith.addi %mul3A_2, %mul3A_53 : i32
      %add3A_55 = vector.broadcast %add3A_54 : i32 to vector<16xi32>
      %add3A_56 = arith.addi %iota3A, %add3A_55 : vector<16xi32>
      %dma_wait3A_57 = arith.constant 0 : i32
      %dma_wait3A_58 = arith.constant 0 : i32
      %dma_wait3A_59 = tpu.memref_slice %arg2[%dma_wait3A_57, %dma_wait3A_58] : memref<62500x2048xf32, #tpu.memory_space<hbm>> -> memref<62500x2048xf32, #tpu.memory_space<hbm>>
      tpu.wait_indirect_dma semaphore(%arg9 : memref<!tpu.dma_semaphore, #tpu.memory_space<semaphore_mem>>) src(%dma_wait3A_59 : memref<62500x2048xf32, #tpu.memory_space<hbm>>) dst(%arg6 : memref<16x2048xf32, #tpu.memory_space<vmem>>)
      %add3A_60 = arith.constant 2 : i32
      %add3A_61 = arith.addi %mul3A_27, %add3A_60 : i32
      %min3A = arith.constant 121 : i32
      %min3A_62 = arith.minsi %add3A_61, %min3A : i32
      %mul3A_63 = arith.constant 16 : i32
      %mul3A_64 = arith.muli %min3A_62, %mul3A_63 : i32
      %add3A_65 = arith.addi %mul3A_2, %mul3A_64 : i32
      %add3A_66 = vector.broadcast %add3A_65 : i32 to vector<16xi32>
      %add3A_67 = arith.addi %iota3A, %add3A_66 : vector<16xi32>
      %dma_start3A_68 = arith.constant 0 : i32
      %dma_start3A_69 = arith.constant 0 : i32
      %dma_start3A_70 = tpu.memref_slice %arg2[%dma_start3A_68, %dma_start3A_69] : memref<62500x2048xf32, #tpu.memory_space<hbm>> -> memref<62500x2048xf32, #tpu.memory_space<hbm>>
      tpu.enqueue_indirect_dma source(%dma_start3A_70 : memref<62500x2048xf32, #tpu.memory_space<hbm>>) target(%arg5 : memref<16x2048xf32, #tpu.memory_space<vmem>>) offsets(%add3A_67 : vector<16xi32>) semaphore(%arg8 : memref<!tpu.dma_semaphore, #tpu.memory_space<semaphore_mem>>)
      %get3A_71 = arith.constant 0 : i32
      %get3A_72 = arith.index_cast %get3A_71 : i32 to index
      %get3A_73 = arith.constant 0 : index
      %get3A_74 = tpu.vector_load %arg6[%get3A_72, %get3A_73] {strides = array<i32>} : memref<16x2048xf32, #tpu.memory_space<vmem>>, vector<1x16xf32>,
      %get3A_75 = vector.shape_cast %get3A_74 : vector<1x16xf32> to vector<16xf32>
      %max3A_76 = arith.maximumf %max3A, %get3A_75 : vector<16xf32>
      scf.yield %max3A_76 : vector<16xf32>
    }
    %scan3A_14 = arith.constant 61 : i32
    %add3A_15 = arith.constant 1936 : i32
    %add3A_16 = arith.addi %mul3A_2, %add3A_15 : i32
    %add3A_17 = vector.broadcast %add3A_16 : i32 to vector<16xi32>
    %add3A_18 = arith.addi %iota3A, %add3A_17 : vector<16xi32>
    %dma_wait3A = arith.constant 0 : i32
    %dma_wait3A_19 = arith.constant 0 : i32
    %dma_wait3A_20 = tpu.memref_slice %arg2[%dma_wait3A, %dma_wait3A_19] : memref<62500x2048xf32, #tpu.memory_space<hbm>> -> memref<62500x2048xf32, #tpu.memory_space<hbm>>
    tpu.wait_indirect_dma semaphore(%arg8 : memref<!tpu.dma_semaphore, #tpu.memory_space<semaphore_mem>>) src(%dma_wait3A_20 : memref<62500x2048xf32, #tpu.memory_space<hbm>>) dst(%arg5 : memref<16x2048xf32, #tpu.memory_space<vmem>>)
    %swap3A = arith.constant 0 : index
    %swap3A_21 = tpu.vector_load %arg7[%swap3A] {strides = array<i32>} : memref<16xf32, #tpu.memory_space<vmem>>, vector<16xf32>,
    %swap3A_22 = vector.shape_cast %swap3A_21 : vector<16xf32> to vector<16xf32>
    %swap3A_23 = vector.shape_cast %scan3A_13 : vector<16xf32> to vector<16xf32>
    tpu.vector_store %arg7[%swap3A], %swap3A_23 {strides = array<i32>} : memref<16xf32, #tpu.memory_space<vmem>>, vector<16xf32>,
    "tpu.region"() ({
      %run_scoped3A = tpu.sem_alloc : memref<!tpu.dma_semaphore, #tpu.memory_space<semaphore_mem>>
      %dma_start3A_24 = arith.constant 0 : i32
      %dma_start3A_25 = tpu.memref_slice %arg4[%add3A, %dma_start3A_24] : memref<32x16xf32, #tpu.memory_space<hbm>> -> memref<1x16xf32, #tpu.memory_space<hbm>>
      %dma_start3A_26 = tpu.memref_squeeze %dma_start3A_25 : memref<1x16xf32, #tpu.memory_space<hbm>> -> memref<16xf32, #tpu.memory_space<hbm>>
      %dma_start3A_27 = arith.constant 0 : i32
      %dma_start3A_28 = tpu.memref_slice %arg4[%add3A, %dma_start3A_27] : memref<32x16xf32, #tpu.memory_space<hbm>> -> memref<1x16xf32, #tpu.memory_space<hbm>>
      %dma_start3A_29 = tpu.memref_squeeze %dma_start3A_28 : memref<1x16xf32, #tpu.memory_space<hbm>> -> memref<16xf32, #tpu.memory_space<hbm>>
      tpu.enqueue_dma source(%arg7 : memref<16xf32, #tpu.memory_space<vmem>>) target(%dma_start3A_29 : memref<16xf32, #tpu.memory_space<hbm>>) target_semaphore(%run_scoped3A : memref<!tpu.dma_semaphore, #tpu.memory_space<semaphore_mem>>)
      %dma_wait3A_30 = arith.constant 0 : i32
      %dma_wait3A_31 = tpu.memref_slice %arg4[%add3A, %dma_wait3A_30] : memref<32x16xf32, #tpu.memory_space<hbm>> -> memref<1x16xf32, #tpu.memory_space<hbm>>
      %dma_wait3A_32 = tpu.memref_squeeze %dma_wait3A_31 : memref<1x16xf32, #tpu.memory_space<hbm>> -> memref<16xf32, #tpu.memory_space<hbm>>
      %dma_wait3A_33 = arith.constant 0 : i32
      %dma_wait3A_34 = tpu.memref_slice %arg4[%add3A, %dma_wait3A_33] : memref<32x16xf32, #tpu.memory_space<hbm>> -> memref<1x16xf32, #tpu.memory_space<hbm>>
      %dma_wait3A_35 = tpu.memref_squeeze %dma_wait3A_34 : memref<1x16xf32, #tpu.memory_space<hbm>> -> memref<16xf32, #tpu.memory_space<hbm>>
      tpu.wait_dma2 semaphore(%run_scoped3A : memref<!tpu.dma_semaphore, #tpu.memory_space<semaphore_mem>>) src(%arg7 : memref<16xf32, #tpu.memory_space<vmem>>) dst(%dma_wait3A_35 : memref<16xf32, #tpu.memory_space<hbm>>)
      tpu.yield
    }) : () -> ()
    return
  }
}

</mosaic_0001>

<sc_bundles>
// kernel: kernel.3.cloned.1.call-start
scs
__scs_entry_jumppad:
0x0: {  	(pc) =	sbr.rel $0x88, $3  }
0x1: {  	(tag) =	ssettag $0x0;
	lr =	simm.s32 $0x1  }
0x2: {  	[smem:$0x3F9F] =	sst lr;
	_ =	strace $0xD0000000  }
0x3: {  	_ = 	snop  }
0x4: {  	_ = 	snop  }
0x5: {  	_ = 	snop  }
0x6: {  	_ = 	snop  }
0x7: {  	_ = 	snop  }
__scs_overlays_trampoline_lowered:
0x8: {  	[smem:$0x3FAE] =	sst s0  }
0x9: {  	[smem:$0x3FAF] =	sst s1  }
0xa: {  	[smem:$0x3FB0] =	sst s2  }
0xb: {  	[smem:$0x3FB1] =	sst s3  }
0xc: {  	[smem:$0x3FB2] =	sst s4  }
0xd: {  	[smem:$0x3FB3] =	sst s5  }
0xe: {  	[smem:$0x3FB4] =	sst s6  }
0xf: {  	[smem:$0x3FB5] =	sst s7  }
0x10: {  	[smem:$0x3FB6] =	sst s8  }
0x11: {  	[smem:$0x3FB7] =	sst s9;
	s0 =	simm.s32 @!p0 $0x0  }
0x12: {  	s1 =	sld [smem:$0x3F9D];
	s0 =	simm.s32 @p0 $0x1  }
0x13: {  	[smem:$0x3FB8] =	sst s0;
	s0 =	simm.s32 @!p1 $0x0  }
0x14: {  	s2 =	sld [smem:$0x3F9C];
	s0 =	simm.s32 @p1 $0x1  }
0x15: {  	[smem:$0x3FB9] =	sst s0;
	s0 =	simm.s32 @!p2 $0x0  }
0x16: {  	s3 =	sld [smem:$0x3FDB];
	s0 =	simm.s32 @p2 $0x1  }
0x17: {  	s4 =	simm.s32 $0x1BF5;
	[smem:$0x3FBB] =	sst s0  }
0x18: {  	s0 =	sld [smem:$0x3F9E];
	_ =	swait.ge [sflag:s4], $0x0  }
0x19: {  	s7 =	sld [smem:$0x3F9F]  }
0x1a: {  	s8 =	sadd.s32 $0xFFFFE003, lr  }
0x1b: {  	s9 =	sadd.s32 $0xFFFFFEF7, lr;
	s5 =	simm.s32 $0xFFFFFFFF;
	p2 =	slt.u32 s8, $0xFFFFF086  }
0x1c: {  	p1 =	slt.u32 s9, $0xF7A;
	s5 =	simm.s32 @!p2 $0x0  }
0x1d: {  	s5 =	simm.s32 @p1 $0x1;
	p0 =	seq.s32 s7, s2  }
0x1e: {  	s7 =	smul.u32 @!p0 $0xF7A, s2;
	p2 =	seq.s32 @!p0 s5, $0x0  }
0x1f: {  	s9 =	smul.u32 $0xF7A, s1;
	s8 =	simm.s32 @!p0 $0x1BF5;
	p2 =	por !p2, p0  }
0x20: {  	[sflag:s8] =	ssyncset.s32 @!p0 $0xFFFFF086;
	s6 =	sadd.s32 @!p0 s3, s7;
	s7 =	simm.s32 @!p0 $0x108  }
0x21: {  	s3 =	sadd.s32 s3, s9;
	s6 =	sadd.s32 @!p0 $0x88, s6;
	s7 =	simm.s32 @p2 $0x1082  }
0x22: {  	[simem:s7], [sflag:s8] =	dma.local @!p0 [hbm:s6], $0xF7A  }
0x23: {  	s9 =	sor.u32 $0xD0000000, s2;
	s6 =	simm.s32 $0x108;
	_ =	swait.ge @!p0 [sflag:s8], $0x0  }
0x24: {  	s3 =	sadd.s32 $0x88, s3;
	s6 =	simm.s32 @!p1 $0x1082;
	[sflag:s4] =	ssyncset.s32 $0xFFFFF086  }
0x25: {  	[simem:s6], [sflag:s4] =	dma.local [hbm:s3], $0xF7A  }
0x26: {  	[smem:$0x3F9F] =	sst s1;
	(tag) =	ssettag s2;
	_ =	strace s9  }
0x27: {  	s1 =	sld [smem:$0x3FAF]  }
0x28: {  	s2 =	sld [smem:$0x3FB0]  }
0x29: {  	s4 =	sld [smem:$0x3FB2]  }
0x2a: {  	p0 =	seq.s32 s5, $0x0;
	s5 =	sld [smem:$0x3FB3]  }
0x2b: {  	s6 =	sld [smem:$0x3FB4]  }
0x2c: {  	s7 =	sld [smem:$0x3FB5]  }
0x2d: {  	s3 =	simm.s32 $0x108;
	s8 =	sld [smem:$0x3FB6]  }
0x2e: {  	s3 =	simm.s32 @!p0 $0x1082;
	s9 =	sld [smem:$0x3FB7]  }
0x2f: {  	lr =	sadd.s32 s0, s3;
	s0 =	sld [smem:$0x3FAE]  }
0x30: {  	s3 =	sld [smem:$0x3FB1]  }
0x31: {  	[smem:$0x3FBA] =	sst s10  }
0x32: {  	s10 =	sld [smem:$0x3FB8];
	_ =	sdelay $0x3  }
0x33: {  	p0 =	seq.s32 s10, $0x1;
	s10 =	sld [smem:$0x3FBA];
	_ =	sdelay $0x3  }
0x34: {  	[smem:$0x3FBA] =	sst s10  }
0x35: {  	s10 =	sld [smem:$0x3FB9];
	_ =	sdelay $0x3  }
0x36: {  	p1 =	seq.s32 s10, $0x1;
	s10 =	sld [smem:$0x3FBA];
	_ =	sdelay $0x3  }
0x37: {  	[smem:$0x3FBA] =	sst s10  }
0x38: {  	s10 =	sld [smem:$0x3FBB]  }
0x39: {  	_ = 	snop;
	(pc) =	sbr.ind lr, $3  }
0x3a: {  	_ = 	snop  }
0x3b: {  	_ = 	snop  }
0x3c: {  	p2 =	seq.s32 s10, $0x1;
	s10 =	sld [smem:$0x3FBA]  }
0x3d: {  	_ =	shalt  }
0x3e: {  	_ =	shalt  }
0x3f: {  	_ =	shalt  }
0x40: {  	_ =	shalt  }
0x41: {  	_ =	shalt  }
0x42: {  	_ =	shalt  }
0x43: {  	_ =	shalt  }
0x44: {  	_ =	shalt  }
0x45: {  	_ =	shalt  }
0x46: {  	_ =	shalt  }
0x47: {  	_ =	shalt  }
0x48: {  	_ =	shalt  }
0x49: {  	_ =	shalt  }
0x4a: {  	_ =	shalt  }
0x4b: {  	_ =	shalt  }
0x4c: {  	_ =	shalt  }
0x4d: {  	_ =	shalt  }
0x4e: {  	_ =	shalt  }
0x4f: {  	_ =	shalt  }
0x50: {  	_ =	shalt  }
0x51: {  	_ =	shalt  }
0x52: {  	_ =	shalt  }
0x53: {  	_ =	shalt  }
0x54: {  	_ =	shalt  }
0x55: {  	_ =	shalt  }
0x56: {  	_ =	shalt  }
0x57: {  	_ =	shalt  }
0x58: {  	_ =	shalt  }
0x59: {  	_ =	shalt  }
0x5a: {  	_ =	shalt  }
0x5b: {  	_ =	shalt  }
0x5c: {  	_ =	shalt  }
0x5d: {  	_ =	shalt  }
0x5e: {  	_ =	shalt  }
0x5f: {  	_ =	shalt  }
0x60: {  	_ =	shalt  }
0x61: {  	_ =	shalt  }
0x62: {  	_ =	shalt  }
0x63: {  	_ =	shalt  }
0x64: {  	_ =	shalt  }
0x65: {  	_ =	shalt  }
0x66: {  	_ =	shalt  }
0x67: {  	_ =	shalt  }
0x68: {  	_ =	shalt  }
0x69: {  	_ =	shalt  }
0x6a: {  	_ =	shalt  }
0x6b: {  	_ =	shalt  }
0x6c: {  	_ =	shalt  }
0x6d: {  	_ =	shalt  }
0x6e: {  	_ =	shalt  }
0x6f: {  	_ =	shalt  }
0x70: {  	_ =	shalt  }
0x71: {  	_ =	shalt  }
0x72: {  	_ =	shalt  }
0x73: {  	_ =	shalt  }
0x74: {  	_ =	shalt  }
0x75: {  	_ =	shalt  }
0x76: {  	_ =	shalt  }
0x77: {  	_ =	shalt  }
0x78: {  	_ =	shalt  }
0x79: {  	_ =	shalt  }
0x7a: {  	_ =	shalt  }
0x7b: {  	_ =	shalt  }
0x7c: {  	_ =	shalt  }
0x7d: {  	_ =	shalt  }
0x7e: {  	_ =	shalt  }
0x7f: {  	_ =	shalt  }
0x80: {  	_ =	shalt  }
0x81: {  	_ =	shalt  }
0x82: {  	_ =	shalt  }
0x83: {  	_ =	shalt  }
0x84: {  	_ =	shalt  }
0x85: {  	_ =	shalt  }
0x86: {  	_ =	shalt  }
0x87: {  	_ =	shalt  }
.Lfunc_end0:
.L_simem_size_0:
called_computation_lowered:
.L_overlay_start_0:
0x88: {  	s2 =	sld [smem:$0x3FD9]  }
0x89: {  	s3 =	sld [smem:$0x3FFE];
	_ =	sdelay $0x1  }
0x8a: {  	s1 =	srdreg.scid  }
0x8b: {  	s0 =	sand.u32 $0x1, s1  }
0x8c: {  	s16 =	sshll.u32 s0, $0xA;
	s2 =	sadd.s32 s3, s2  }
0x8d: {  	s2 =	sadd.s32 s2, s16  }
0x8e: {  	[smem:$0x3FC6] =	sst s2  }
0x8f: {  	_ = 	snop  }
0x90: {  	(tm) =	ssettm $0x1  }
0x91: {  	s17 =	sld [smem:$0x3FFB];
	_ =	sdelay $0x3  }
0x92: {  	_ =	strace s17  }
0x93: {  	s2 =	sld [smem:$0x3FFC];
	_ =	sdelay $0x3  }
0x94: {  	_ =	strace s2  }
0x95: {  	s2 =	sld [smem:$0x3FFD];
	_ =	sdelay $0x3  }
0x96: {  	_ =	strace s2  }
0x97: {  	_ =	strace $0x8FFFFFFF  }
0x98: {  	s18 =	sld [smem:$0x3FDB];
	_ =	sdelay $0x1  }
0x99: {  	s19 =	simm.s32 $_scs_section_size  }
0x9a: {  	s4 =	simm.s32 $_size__tile_overlayer_lowered;
	s5 =	simm.s32 $_tile_overlayer_lowered  }
0x9b: {  	s22 =	simm.s32 $0x1BFF;
	s21 =	sshll.u32 s5, $0x1;
	s2 =	sadd.s32 s19, s18  }
0x9c: {  	s6 =	simm.s32 $0x0;
	s20 =	sshll.u32 s4, $0x1;
	s4 =	sadd.s32 s21, s2  }
0x9d: {  	[timem:s6], [sflag:s22] =	dma.local [hbm:s4], s20  }
0x9e: {  	_ =	swait.ge [sflag:s22], s20  }
0x9f: {  	s3 =	ssub.s32 $0x0, s20;
	[sflag:s22] =	ssyncset.done $0x0  }
0xa0: {  	[sflag:s22] =	ssyncadd.s32 s3;
	_ =	sdelay $0x1  }
0xa1: {  	s23 =	simm.s32 $0x1B8B  }
0xa2: {  	_ =	swait.ge [sflag:s23], $0x1  }
0xa3: {  	[sflag:s23] =	ssyncset.done $0x0  }
0xa4: {  	s25 =	simm.s32 $0x1B8E;
	s24 =	sld [smem:$0x3FFE];
	[sflag:s23] =	ssyncadd.s32 $0xFFFFFFFF  }
0xa5: {  	s26 =	simm.s32 $execute0_lowered;
	[smem:$0x3FD2] =	sst s25  }
0xa6: {  	s4 =	sshll.u32 s26, $0x1;
	_ =	strace $0x80000046;
	[dreg:$0x1] =	wrdreg $0xFFFFFFFF  }
0xa7: {  	s28 =	simm.s32 $_size_execute0_lowered;
	s2 =	sadd.s32 s2, s4;
	[dreg:$0x0] =	wrdreg $0x0  }
0xa8: {  	s4 =	sshll.u32 s28, $0x1;
	[dreg:$0x2] =	wrdreg s2  }
0xa9: {  	[dreg:$0x3] =	wrdreg s4  }
0xaa: {  	[dreg:$0x4] =	wrdreg $0xC0  }
0xab: {  	_ =	task [dreg:s6], $0x5FFFF  }
0xac: {  	[dreg:$0x1] =	wrdreg $0xFFFFFFFF  }
0xad: {  	[dreg:$0x0] =	wrdreg $0x60  }
0xae: {  	[dreg:$0x2] =	wrdreg s24  }
0xaf: {  	[dreg:$0x3] =	wrdreg $0x9  }
0xb0: {  	_ =	task.clear_ibuf [dreg:s6], $0x4FFFF;
	_ =	strace $0x90000046  }
0xb1: {  	s29 =	simm.s32 $0x9;
	_ =	strace $0x80000048  }
0xb2: {  	_ =	swait.ge [sflag:s29], $0x1  }
0xb3: {  	[sflag:s29] =	ssyncadd.s32 $0xFFFFFFFF  }
0xb4: {  	_ =	strace $0x90000048  }
0xb5: {  	_ =	sfence  }
0xb6: {  	s30 =	sld [smem:$0x0];
	_ =	sdelay $0x2  }
0xb7: {  	s31 =	sshll.u32 s1, $0xD;
	s1 =	sshrl.u32 s1, $0x2  }
0xb8: {  	s3 =	sand.u32 $0x4000, s31;
	s1 =	sadd.s32 s1, s30  }
0xb9: {  	s0 =	sor.u32 s3, s0;
	s1 =	sshll.u32 s1, $0x11  }
0xba: {  	s0 =	sor.u32 s1, s0  }
0xbb: {  	s0 =	sadd.s32 $0x8F2B, s0  }
0xbc: {  	[sflag:s0] =	ssyncadd.remote.s32 $0x1  }
0xbd: {  	_ =	sfence.sel $0xFFFF  }
0xbe: {  	[dreg:$0x0] =	wrdreg $0xFFFFFFFF;
	(pc) =	sbr.abs _section_cstart, $3  }
0xbf: {  	[dreg:$0x1] =	wrdreg $0xFFFFFFFF  }
0xc0: {  	_ =	task.clear_ibuf [dreg:s6], $0x2FFFF;
	_ =	strace $0x9FFFFFFF  }
0xc1: {  	(tm) =	ssettm $0x7FFFFFFF  }
tec
execute0_lowered:
.L_overlay_start_1:
0x0: {  	(tag) =	ssettag $0x1  }
0x1: {  	s0 =	rddreg [dreg:$0x0];
	s1 =	srdreg.scid;
	s2 =	simm.s32 $0x0  }
0x2: {  	s16 =	stileid.u32;
	s29 =	simm.s32 $0x8000;
	s17 =	simm.s32 $0xA000  }
0x3: {  	s18 =	simm.s32 $0xA800;
	s19 =	simm.s32 $0xB000;
	[smem:$0x7FF] =	sst s2  }
0x4: {  	s20 =	simm.s32 $0xB800;
	_ =	strace $0x80000047;
	[dreg:$0x3] =	wrdreg s29  }
0x5: {  	s21 =	simm.s32 $0xC000;
	s22 =	simm.s32 $0xC800;
	[dreg:$0x7] =	wrdreg s17  }
0x6: {  	s23 =	simm.s32 $0xD000;
	s24 =	simm.s32 $0xD800;
	[dreg:$0x8] =	wrdreg s18  }
0x7: {  	s25 =	simm.s32 $0xE000;
	s26 =	simm.s32 $0xE800;
	[dreg:$0x9] =	wrdreg s19  }
0x8: {  	s30 =	simm.s32 $0x1;
	s1 =	sand.u32 $0x1, s1;
	[dreg:$0xa] =	wrdreg s20  }
0x9: {  	s4 =	sadd.s32 $0xF42500, s0;
	s5 =	sadd.s32 $0xF42600, s0;
	[dreg:$0xb] =	wrdreg s21  }
0xa: {  	s6 =	sadd.s32 $0xF42700, s0;
	s7 =	sadd.s32 $0xF42800, s0;
	[dreg:$0xc] =	wrdreg s22  }
0xb: {  	s10 =	sadd.s32 $0xF42B00, s0;
	s15 =	sshll.u32 s16, $0x4;
	[dreg:$0xd] =	wrdreg s23  }
0xc: {  	s3 =	sshll.u32 s1, $0x4;
	s8 =	ssub.s32 $0x2, s1;
	[dreg:$0xe] =	wrdreg s24  }
0xd: {  	s28 =	sand.u32 $0x70, s15;
	s1 =	smul.u32 $0x7A10, s1;
	[dreg:$0xf] =	wrdreg s25  }
0xe: {  	s15 =	smul.u32 $0x7A1, s16;
	[dreg:$0x10] =	wrdreg s26;
	s29 =	simm.s32 $0xF800  }
0xf: {  	s11 =	sor.u32 s16, s3;
	s3 =	sadd.s32 $0xF42400, s0;
	s9 =	sshrl.u32 s8, $0x1  }
0x10: {  	s16 =	simm.s32 $0x9800;
	[dreg:$0x12] =	wrdreg s29;
	s12 =	smul.u32 $0x7A1, s11  }
0x11: {  	s13 =	ssub.s32 s8, s9;
	s8 =	sadd.s32 $0xF42900, s0;
	s9 =	sadd.s32 $0xF42A00, s0  }
0x12: {  	v0 =	vlaneseq.u32;
	s0 =	sadd.s32 s0, s28;
	[dreg:$0x6] =	wrdreg s16;
	s28 =	simm.s32 $0xF000  }
0x13: {  	s1 =	sadd.s32 s15, s1;
	s13 =	smax.u32 s13, $0x1;
	[dreg:$0x11] =	wrdreg s28;
	v1 =	vadd.s32 s12, v0  }
0x14: {  	s11 =	sshll.u32 s11, $0x4;
	s1 =	sadd.s32 $0x10, s1;
	[dreg:$0x14] =	wrdreg s13;
	v2 =	vshll.u32 v1, $0x4  }
0x15: {  	v3 =	vshrl.u32 v0, $0x3;
	s11 =	sand.u32 $0x180, s11;
	s14 =	sadd.s32 $0x20, s12;
	[dreg:$0x15] =	wrdreg s1;
	v1 =	vand.u32 $0x7, v1;
	v2 =	vand.u32 $0x7FFFFF80, v2  }
0x16: {  	s31 =	simm.s32 $0x2;
	s0 =	sadd.s32 s11, s0;
	[dreg:$0x2] =	wrdreg s14;
	v4 =	vor.u32 v1, v2;
	v1 =	vand.u32 $0x7, v0;
	v2 =	vor.u32 $0x8, v0  }
0x17: {  	v3 =	vmul.u32 $0x8, v3;
	s18 =	simm.s32 $0x2000;
	s11 =	simm.s32 $0x8800;
	[dreg:$0x13] =	wrdreg s0;
	v5 =	vperm.xlane v4, v1;
	v6 =	vperm.xlane v4, v2  }
0x18: {  	s21 =	simm.s32 $0x3800;
	[dreg:$0x4] =	wrdreg s11;
	s14 =	simm.s32 $0x9000  }
0x19: {  	vm0 =	vmmov $0xffff;
	s16 =	simm.s32 $0x1000;
	s11 =	simm.s32 $0x0;
	[dreg:$0x5] =	wrdreg s14;
	v4 =	vadd.s32 v3, v5;
	v5 =	vadd.s32 v3, v6  }
.LBB2_1:
0x1a: {  	_ =	sdelay $0x3  }
0x1b: {  	[tilespmem:s2], [sflag:$0x1] =	stream.indirect_vreg.gather [hbm4b:s3+s2], $0x80, v4, vm0, $0xb8;
	[tilespmem:$0x10080] =	vst v63  }
0x1c: {  	s12 =	simm.s32 $0x800  }
0x1d: {  	[tilespmem:s12], [sflag:$0x1] =	stream.indirect_vreg.gather [hbm4b:s4+s2], $0x80, v4, vm0, $0xb8;
	[tilespmem:$0x10080] =	vst v63  }
0x1e: {  	s17 =	simm.s32 $0x1000  }
0x1f: {  	[tilespmem:s17], [sflag:$0x1] =	stream.indirect_vreg.gather [hbm4b:s5+s2], $0x80, v4, vm0, $0xb8;
	[tilespmem:$0x10080] =	vst v63  }
0x20: {  	s14 =	simm.s32 $0x1800  }
0x21: {  	[tilespmem:s14], [sflag:$0x1] =	stream.indirect_vreg.gather [hbm4b:s6+s2], $0x80, v4, vm0, $0xb8;
	[tilespmem:$0x10080] =	vst v63  }
0x22: {  	s19 =	simm.s32 $0x2000  }
0x23: {  	[tilespmem:s19], [sflag:$0x1] =	stream.indirect_vreg.gather [hbm4b:s7+s2], $0x80, v4, vm0, $0xb8;
	[tilespmem:$0x10080] =	vst v63  }
0x24: {  	s20 =	simm.s32 $0x2800  }
0x25: {  	[tilespmem:s20], [sflag:$0x1] =	stream.indirect_vreg.gather [hbm4b:s8+s2], $0x80, v4, vm0, $0xb8;
	[tilespmem:$0x10080] =	vst v63  }
0x26: {  	s15 =	simm.s32 $0x3000  }
0x27: {  	[tilespmem:s15], [sflag:$0x1] =	stream.indirect_vreg.gather [hbm4b:s9+s2], $0x80, v4, vm0, $0xb8;
	[tilespmem:$0x10080] =	vst v63  }
0x28: {  	s22 =	simm.s32 $0x3800  }
0x29: {  	[tilespmem:s22], [sflag:$0x1] =	stream.indirect_vreg.gather [hbm4b:s10+s2], $0x80, v4, vm0, $0xb8;
	[tilespmem:$0x10080] =	vst v63  }
0x2a: {  	s23 =	simm.s32 $0x4000  }
0x2b: {  	[tilespmem:s23], [sflag:$0x1] =	stream.indirect_vreg.gather [hbm4b:s3+s2], $0x80, v5, vm0, $0xb8;
	[tilespmem:$0x10080] =	vst v63  }
0x2c: {  	s24 =	simm.s32 $0x4800  }
0x2d: {  	[tilespmem:s24], [sflag:$0x1] =	stream.indirect_vreg.gather [hbm4b:s4+s2], $0x80, v5, vm0, $0xb8;
	[tilespmem:$0x10080] =	vst v63  }
0x2e: {  	[dreg:$0x16] =	wrdreg s11;
	s25 =	simm.s32 $0x5000  }
0x2f: {  	[tilespmem:s25], [sflag:$0x1] =	stream.indirect_vreg.gather [hbm4b:s5+s2], $0x80, v5, vm0, $0xb8;
	[tilespmem:$0x10080] =	vst v63  }
0x30: {  	s26 =	simm.s32 $0x5800;
	s11 =	rddreg [dreg:$0x15]  }
0x31: {  	[tilespmem:s26], [sflag:$0x1] =	stream.indirect_vreg.gather [hbm4b:s6+s2], $0x80, v5, vm0, $0xb8;
	[tilespmem:$0x10080] =	vst v63  }
0x32: {  	s28 =	simm.s32 $0x6000;
	v6 =	vadd.s32 s11, v0  }
0x33: {  	v7 =	vshll.u32 v6, $0x4;
	[tilespmem:s28], [sflag:$0x1] =	stream.indirect_vreg.gather [hbm4b:s7+s2], $0x80, v5, vm0, $0xb8;
	[tilespmem:$0x10080] =	vst v63  }
0x34: {  	s29 =	simm.s32 $0x6800;
	v6 =	vand.u32 $0x7, v6;
	v7 =	vand.u32 $0xFFFFFF80, v7  }
0x35: {  	v6 =	vor.u32 v6, v7;
	[tilespmem:s29], [sflag:$0x1] =	stream.indirect_vreg.gather [hbm4b:s8+s2], $0x80, v5, vm0, $0xb8;
	[tilespmem:$0x10080] =	vst v63  }
0x36: {  	s13 =	simm.s32 $0x7000;
	v7 =	vperm.xlane v6, v1  }
0x37: {  	[tilespmem:s13], [sflag:$0x1] =	stream.indirect_vreg.gather [hbm4b:s9+s2], $0x80, v5, vm0, $0xb8;
	[tilespmem:$0x10080] =	vst v63  }
0x38: {  	s0 =	simm.s32 $0x7800;
	v7 =	vadd.s32 v3, v7  }
0x39: {  	[tilespmem:s0], [sflag:$0x1] =	stream.indirect_vreg.gather [hbm4b:s10+s2], $0x80, v5, vm0, $0xb8;
	[tilespmem:$0x10080] =	vst v63  }
0x3a: {  	_ =	swait.ge [sflag:s30], $0x8000  }
0x3b: {  	[sflag:s30] =	ssyncset.done $0x0  }
0x3c: {  	s0 =	rddreg [dreg:$0x3];
	[sflag:s30] =	ssyncadd.s32 $0xFFFF8000  }
0x3d: {  	[tilespmem:s0], [sflag:$0x2] =	stream.indirect_vreg.gather [hbm4b:s3+s2], $0x80, v7, vm0, $0xb8;
	[tilespmem:$0x10080] =	vst v63  }
0x3e: {  	s1 =	rddreg [dreg:$0x4]  }
0x3f: {  	[tilespmem:s1], [sflag:$0x2] =	stream.indirect_vreg.gather [hbm4b:s4+s2], $0x80, v7, vm0, $0xb8;
	[tilespmem:$0x10080] =	vst v63  }
0x40: {  	s0 =	rddreg [dreg:$0x5]  }
0x41: {  	[tilespmem:s0], [sflag:$0x2] =	stream.indirect_vreg.gather [hbm4b:s5+s2], $0x80, v7, vm0, $0xb8;
	[tilespmem:$0x10080] =	vst v63  }
0x42: {  	s1 =	rddreg [dreg:$0x6]  }
0x43: {  	[tilespmem:s1], [sflag:$0x2] =	stream.indirect_vreg.gather [hbm4b:s6+s2], $0x80, v7, vm0, $0xb8;
	[tilespmem:$0x10080] =	vst v63  }
0x44: {  	s0 =	rddreg [dreg:$0x7]  }
0x45: {  	[tilespmem:s0], [sflag:$0x2] =	stream.indirect_vreg.gather [hbm4b:s7+s2], $0x80, v7, vm0, $0xb8;
	[tilespmem:$0x10080] =	vst v63  }
0x46: {  	v6 =	vperm.xlane v6, v2;
	s1 =	rddreg [dreg:$0x8]  }
0x47: {  	[tilespmem:s1], [sflag:$0x2] =	stream.indirect_vreg.gather [hbm4b:s8+s2], $0x80, v7, vm0, $0xb8;
	[tilespmem:$0x10080] =	vst v63  }
0x48: {  	v6 =	vadd.s32 v3, v6;
	s0 =	rddreg [dreg:$0x9]  }
0x49: {  	[tilespmem:s0], [sflag:$0x2] =	stream.indirect_vreg.gather [hbm4b:s9+s2], $0x80, v7, vm0, $0xb8;
	[tilespmem:$0x10080] =	vst v63  }
0x4a: {  	s1 =	rddreg [dreg:$0xa]  }
0x4b: {  	[tilespmem:s1], [sflag:$0x2] =	stream.indirect_vreg.gather [hbm4b:s10+s2], $0x80, v7, vm0, $0xb8;
	[tilespmem:$0x10080] =	vst v63  }
0x4c: {  	s0 =	rddreg [dreg:$0xb]  }
0x4d: {  	[tilespmem:s0], [sflag:$0x2] =	stream.indirect_vreg.gather [hbm4b:s3+s2], $0x80, v6, vm0, $0xb8;
	[tilespmem:$0x10080] =	vst v63  }
0x4e: {  	s1 =	rddreg [dreg:$0xc]  }
0x4f: {  	[tilespmem:s1], [sflag:$0x2] =	stream.indirect_vreg.gather [hbm4b:s4+s2], $0x80, v6, vm0, $0xb8;
	[tilespmem:$0x10080] =	vst v63  }
0x50: {  	s0 =	rddreg [dreg:$0xd]  }
0x51: {  	[tilespmem:s0], [sflag:$0x2] =	stream.indirect_vreg.gather [hbm4b:s5+s2], $0x80, v6, vm0, $0xb8;
	[tilespmem:$0x10080] =	vst v63  }
0x52: {  	s1 =	rddreg [dreg:$0xe]  }
0x53: {  	[tilespmem:s1], [sflag:$0x2] =	stream.indirect_vreg.gather [hbm4b:s6+s2], $0x80, v6, vm0, $0xb8;
	[tilespmem:$0x10080] =	vst v63  }
0x54: {  	s0 =	rddreg [dreg:$0xf]  }
0x55: {  	[tilespmem:s0], [sflag:$0x2] =	stream.indirect_vreg.gather [hbm4b:s7+s2], $0x80, v6, vm0, $0xb8;
	[tilespmem:$0x10080] =	vst v63  }
0x56: {  	s1 =	rddreg [dreg:$0x10]  }
0x57: {  	[tilespmem:s1], [sflag:$0x2] =	stream.indirect_vreg.gather [hbm4b:s8+s2], $0x80, v6, vm0, $0xb8;
	[tilespmem:$0x10080] =	vst v63  }
0x58: {  	s0 =	rddreg [dreg:$0x11]  }
0x59: {  	[tilespmem:s0], [sflag:$0x2] =	stream.indirect_vreg.gather [hbm4b:s9+s2], $0x80, v6, vm0, $0xb8;
	[tilespmem:$0x10080] =	vst v63  }
0x5a: {  	s1 =	rddreg [dreg:$0x12]  }
0x5b: {  	[tilespmem:s1], [sflag:$0x2] =	stream.indirect_vreg.gather [hbm4b:s10+s2], $0x80, v6, vm0, $0xb8;
	[tilespmem:$0x10080] =	vst v63  }
0x5c: {  	s1 =	smin.u32 s2, $0x77;
	v6 =	vld [tilespmem:$0x0];
	_ =	swait.ge [sflag:s31], $0x8000  }
0x5d: {  	s1 =	sshll.u32 s1, $0x4;
	s0 =	rddreg [dreg:$0x2]  }
0x5e: {  	s0 =	sadd.s32 s1, s0  }
0x5f: {  	v7 =	vadd.s32 s0, v0  }
0x60: {  	v8 =	vshll.u32 v7, $0x4  }
0x61: {  	v7 =	vand.u32 $0x7, v7;
	v8 =	vand.u32 $0xFFFFFF80, v8  }
0x62: {  	v7 =	vor.u32 v7, v8  }
0x63: {  	v8 =	vperm.xlane v7, v1;
	_ =	sdelay $0x1  }
0x64: {  	v8 =	vadd.s32 v3, v8;
	_ =	sdelay $0x2  }
0x65: {  	[sflag:s31] =	ssyncset.done $0x0  }
0x66: {  	[sflag:s31] =	ssyncadd.s32 $0xFFFF8000  }
0x67: {  	[tilespmem:s2], [sflag:$0x1] =	stream.indirect_vreg.gather [hbm4b:s3+s2], $0x80, v8, vm0, $0xb8;
	[tilespmem:$0x10080] =	vst v63  }
0x68: {  	_ = 	snop  }
0x69: {  	[tilespmem:s12], [sflag:$0x1] =	stream.indirect_vreg.gather [hbm4b:s4+s2], $0x80, v8, vm0, $0xb8;
	[tilespmem:$0x10080] =	vst v63  }
0x6a: {  	_ = 	snop  }
0x6b: {  	[tilespmem:s17], [sflag:$0x1] =	stream.indirect_vreg.gather [hbm4b:s5+s2], $0x80, v8, vm0, $0xb8;
	[tilespmem:$0x10080] =	vst v63  }
0x6c: {  	_ = 	snop  }
0x6d: {  	[tilespmem:s14], [sflag:$0x1] =	stream.indirect_vreg.gather [hbm4b:s6+s2], $0x80, v8, vm0, $0xb8;
	[tilespmem:$0x10080] =	vst v63  }
0x6e: {  	_ = 	snop  }
0x6f: {  	[tilespmem:s19], [sflag:$0x1] =	stream.indirect_vreg.gather [hbm4b:s7+s2], $0x80, v8, vm0, $0xb8;
	[tilespmem:$0x10080] =	vst v63  }
0x70: {  	v7 =	vperm.xlane v7, v2  }
0x71: {  	[tilespmem:s20], [sflag:$0x1] =	stream.indirect_vreg.gather [hbm4b:s8+s2], $0x80, v8, vm0, $0xb8;
	[tilespmem:$0x10080] =	vst v63  }
0x72: {  	v7 =	vadd.s32 v3, v7  }
0x73: {  	[tilespmem:s15], [sflag:$0x1] =	stream.indirect_vreg.gather [hbm4b:s9+s2], $0x80, v8, vm0, $0xb8;
	[tilespmem:$0x10080] =	vst v63  }
0x74: {  	_ = 	snop  }
0x75: {  	[tilespmem:s22], [sflag:$0x1] =	stream.indirect_vreg.gather [hbm4b:s10+s2], $0x80, v8, vm0, $0xb8;
	[tilespmem:$0x10080] =	vst v63  }
0x76: {  	_ = 	snop  }
0x77: {  	[tilespmem:s23], [sflag:$0x1] =	stream.indirect_vreg.gather [hbm4b:s3+s2], $0x80, v7, vm0, $0xb8;
	[tilespmem:$0x10080] =	vst v63  }
0x78: {  	_ = 	snop  }
0x79: {  	[tilespmem:s24], [sflag:$0x1] =	stream.indirect_vreg.gather [hbm4b:s4+s2], $0x80, v7, vm0, $0xb8;
	[tilespmem:$0x10080] =	vst v63  }
0x7a: {  	_ = 	snop  }
0x7b: {  	[tilespmem:s25], [sflag:$0x1] =	stream.indirect_vreg.gather [hbm4b:s5+s2], $0x80, v7, vm0, $0xb8;
	[tilespmem:$0x10080] =	vst v63  }
0x7c: {  	_ = 	snop  }
0x7d: {  	[tilespmem:s26], [sflag:$0x1] =	stream.indirect_vreg.gather [hbm4b:s6+s2], $0x80, v7, vm0, $0xb8;
	[tilespmem:$0x10080] =	vst v63  }
0x7e: {  	s1 =	simm.s32 $0x4;
	s12 =	sadd.s32 $0x20, s11  }
0x7f: {  	[tilespmem:s28], [sflag:$0x1] =	stream.indirect_vreg.gather [hbm4b:s7+s2], $0x80, v7, vm0, $0xb8;
	[tilespmem:$0x10080] =	vst v63  }
0x80: {  	s11 =	simm.s32 $0x2;
	s17 =	simm.s32 $0x1800;
	s14 =	simm.s32 $0x7800  }
0x81: {  	[tilespmem:s29], [sflag:$0x1] =	stream.indirect_vreg.gather [hbm4b:s8+s2], $0x80, v7, vm0, $0xb8;
	[tilespmem:$0x10080] =	vst v63  }
0x82: {  	s19 =	simm.s32 $0x2800;
	s20 =	simm.s32 $0x3000;
	s15 =	simm.s32 $0x7800;
	v8 =	vadd.s32 s12, v0  }
0x83: {  	v9 =	vshll.u32 v8, $0x4;
	[tilespmem:s13], [sflag:$0x1] =	stream.indirect_vreg.gather [hbm4b:s9+s2], $0x80, v7, vm0, $0xb8;
	[tilespmem:$0x10080] =	vst v63  }
0x84: {  	s22 =	simm.s32 $0x4000;
	v8 =	vand.u32 $0x7, v8;
	s23 =	simm.s32 $0x4800;
	v9 =	vand.u32 $0xFFFFFF80, v9;
	s24 =	simm.s32 $0x5000  }
0x85: {  	v8 =	vor.u32 v8, v9;
	[tilespmem:s14], [sflag:$0x1] =	stream.indirect_vreg.gather [hbm4b:s10+s2], $0x80, v7, vm0, $0xb8;
	[tilespmem:$0x10080] =	vst v63  }
0x86: {  	v10 =	vperm.xlane v8, v1;
	s25 =	simm.s32 $0x5800;
	s26 =	simm.s32 $0x6000;
	v7 =	vld [tilespmem:$0x8000];
	_ =	swait.ge [sflag:s30], $0x8000  }
0x87: {  	v11 =	vimm.f32 $0.0e+00;
	s28 =	simm.s32 $0x6800;
	s13 =	rddreg [dreg:$0x3];
	[sflag:s30] =	ssyncset.done $0x0  }
0x88: {  	v6 =	vmax.f32 v11, v6;
	v9 =	vperm.xlane v8, v2;
	v8 =	vadd.s32 v3, v10;
	s29 =	simm.s32 $0x7000;
	s0 =	rddreg [dreg:$0x4];
	[sflag:s30] =	ssyncadd.s32 $0xFFFF8000  }
.LBB2_2:
0x89: {  	_ =	sdelay $0x3  }
0x8a: {  	[tilespmem:s13], [sflag:$0x2] =	stream.indirect_vreg.gather [hbm4b:s3+s2], $0x80, v8, vm0, $0xb8;
	[tilespmem:$0x10080] =	vst v63  }
0x8b: {  	_ = 	snop  }
0x8c: {  	[tilespmem:s0], [sflag:$0x2] =	stream.indirect_vreg.gather [hbm4b:s4+s2], $0x80, v8, vm0, $0xb8;
	[tilespmem:$0x10080] =	vst v63  }
0x8d: {  	s14 =	rddreg [dreg:$0x5]  }
0x8e: {  	[tilespmem:s14], [sflag:$0x2] =	stream.indirect_vreg.gather [hbm4b:s5+s2], $0x80, v8, vm0, $0xb8;
	[tilespmem:$0x10080] =	vst v63  }
0x8f: {  	s0 =	rddreg [dreg:$0x6]  }
0x90: {  	[tilespmem:s0], [sflag:$0x2] =	stream.indirect_vreg.gather [hbm4b:s6+s2], $0x80, v8, vm0, $0xb8;
	[tilespmem:$0x10080] =	vst v63  }
0x91: {  	s14 =	rddreg [dreg:$0x7]  }
0x92: {  	[tilespmem:s14], [sflag:$0x2] =	stream.indirect_vreg.gather [hbm4b:s7+s2], $0x80, v8, vm0, $0xb8;
	[tilespmem:$0x10080] =	vst v63  }
0x93: {  	s0 =	rddreg [dreg:$0x8]  }
0x94: {  	[tilespmem:s0], [sflag:$0x2] =	stream.indirect_vreg.gather [hbm4b:s8+s2], $0x80, v8, vm0, $0xb8;
	[tilespmem:$0x10080] =	vst v63  }
0x95: {  	v6 =	vmax.f32 v6, v7;
	v7 =	vadd.s32 v3, v9;
	s14 =	rddreg [dreg:$0x9]  }
0x96: {  	[tilespmem:s14], [sflag:$0x2] =	stream.indirect_vreg.gather [hbm4b:s9+s2], $0x80, v8, vm0, $0xb8;
	[tilespmem:$0x10080] =	vst v63  }
0x97: {  	s0 =	rddreg [dreg:$0xa]  }
0x98: {  	[tilespmem:s0], [sflag:$0x2] =	stream.indirect_vreg.gather [hbm4b:s10+s2], $0x80, v8, vm0, $0xb8;
	[tilespmem:$0x10080] =	vst v63  }
0x99: {  	s14 =	rddreg [dreg:$0xb]  }
0x9a: {  	[tilespmem:s14], [sflag:$0x2] =	stream.indirect_vreg.gather [hbm4b:s3+s2], $0x80, v7, vm0, $0xb8;
	[tilespmem:$0x10080] =	vst v63  }
0x9b: {  	s0 =	rddreg [dreg:$0xc]  }
0x9c: {  	[tilespmem:s0], [sflag:$0x2] =	stream.indirect_vreg.gather [hbm4b:s4+s2], $0x80, v7, vm0, $0xb8;
	[tilespmem:$0x10080] =	vst v63  }
0x9d: {  	s14 =	rddreg [dreg:$0xd]  }
0x9e: {  	[tilespmem:s14], [sflag:$0x2] =	stream.indirect_vreg.gather [hbm4b:s5+s2], $0x80, v7, vm0, $0xb8;
	[tilespmem:$0x10080] =	vst v63  }
0x9f: {  	s0 =	rddreg [dreg:$0xe]  }
0xa0: {  	[tilespmem:s0], [sflag:$0x2] =	stream.indirect_vreg.gather [hbm4b:s6+s2], $0x80, v7, vm0, $0xb8;
	[tilespmem:$0x10080] =	vst v63  }
0xa1: {  	s14 =	rddreg [dreg:$0xf]  }
0xa2: {  	[tilespmem:s14], [sflag:$0x2] =	stream.indirect_vreg.gather [hbm4b:s7+s2], $0x80, v7, vm0, $0xb8;
	[tilespmem:$0x10080] =	vst v63  }
0xa3: {  	s0 =	rddreg [dreg:$0x10]  }
0xa4: {  	[tilespmem:s0], [sflag:$0x2] =	stream.indirect_vreg.gather [hbm4b:s8+s2], $0x80, v7, vm0, $0xb8;
	[tilespmem:$0x10080] =	vst v63  }
0xa5: {  	s14 =	rddreg [dreg:$0x11]  }
0xa6: {  	[tilespmem:s14], [sflag:$0x2] =	stream.indirect_vreg.gather [hbm4b:s9+s2], $0x80, v7, vm0, $0xb8;
	[tilespmem:$0x10080] =	vst v63  }
0xa7: {  	s0 =	rddreg [dreg:$0x12]  }
0xa8: {  	[tilespmem:s0], [sflag:$0x2] =	stream.indirect_vreg.gather [hbm4b:s10+s2], $0x80, v7, vm0, $0xb8;
	[tilespmem:$0x10080] =	vst v63  }
0xa9: {  	s14 =	smin.u32 s11, $0x77;
	v10 =	vld [tilespmem:$0x0];
	_ =	swait.ge [sflag:s31], $0x8000  }
0xaa: {  	s14 =	sshll.u32 s14, $0x4;
	s0 =	rddreg [dreg:$0x2]  }
0xab: {  	s0 =	sadd.s32 s14, s0  }
0xac: {  	v7 =	vadd.s32 s0, v0  }
0xad: {  	v8 =	vshll.u32 v7, $0x4  }
0xae: {  	v7 =	vand.u32 $0x7, v7;
	v8 =	vand.u32 $0xFFFFFF80, v8  }
0xaf: {  	v7 =	vor.u32 v7, v8  }
0xb0: {  	v8 =	vperm.xlane v7, v1;
	_ =	sdelay $0x1  }
0xb1: {  	v8 =	vadd.s32 v3, v8;
	_ =	sdelay $0x2  }
0xb2: {  	[sflag:s31] =	ssyncset.done $0x0  }
0xb3: {  	[sflag:s31] =	ssyncadd.s32 $0xFFFF8000  }
0xb4: {  	[tilespmem:s2], [sflag:$0x1] =	stream.indirect_vreg.gather [hbm4b:s3+s2], $0x80, v8, vm0, $0xb8;
	[tilespmem:$0x10080] =	vst v63  }
0xb5: {  	s14 =	simm.s32 $0x800  }
0xb6: {  	[tilespmem:s14], [sflag:$0x1] =	stream.indirect_vreg.gather [hbm4b:s4+s2], $0x80, v8, vm0, $0xb8;
	[tilespmem:$0x10080] =	vst v63  }
0xb7: {  	_ = 	snop  }
0xb8: {  	[tilespmem:s16], [sflag:$0x1] =	stream.indirect_vreg.gather [hbm4b:s5+s2], $0x80, v8, vm0, $0xb8;
	[tilespmem:$0x10080] =	vst v63  }
0xb9: {  	_ = 	snop  }
0xba: {  	[tilespmem:s17], [sflag:$0x1] =	stream.indirect_vreg.gather [hbm4b:s6+s2], $0x80, v8, vm0, $0xb8;
	[tilespmem:$0x10080] =	vst v63  }
0xbb: {  	_ = 	snop  }
0xbc: {  	[tilespmem:s18], [sflag:$0x1] =	stream.indirect_vreg.gather [hbm4b:s7+s2], $0x80, v8, vm0, $0xb8;
	[tilespmem:$0x10080] =	vst v63  }
0xbd: {  	v7 =	vperm.xlane v7, v2  }
0xbe: {  	[tilespmem:s19], [sflag:$0x1] =	stream.indirect_vreg.gather [hbm4b:s8+s2], $0x80, v8, vm0, $0xb8;
	[tilespmem:$0x10080] =	vst v63  }
0xbf: {  	v7 =	vadd.s32 v3, v7  }
0xc0: {  	[tilespmem:s20], [sflag:$0x1] =	stream.indirect_vreg.gather [hbm4b:s9+s2], $0x80, v8, vm0, $0xb8;
	[tilespmem:$0x10080] =	vst v63  }
0xc1: {  	_ = 	snop  }
0xc2: {  	[tilespmem:s21], [sflag:$0x1] =	stream.indirect_vreg.gather [hbm4b:s10+s2], $0x80, v8, vm0, $0xb8;
	[tilespmem:$0x10080] =	vst v63  }
0xc3: {  	_ = 	snop  }
0xc4: {  	[tilespmem:s22], [sflag:$0x1] =	stream.indirect_vreg.gather [hbm4b:s3+s2], $0x80, v7, vm0, $0xb8;
	[tilespmem:$0x10080] =	vst v63  }
0xc5: {  	_ = 	snop  }
0xc6: {  	[tilespmem:s23], [sflag:$0x1] =	stream.indirect_vreg.gather [hbm4b:s4+s2], $0x80, v7, vm0, $0xb8;
	[tilespmem:$0x10080] =	vst v63  }
0xc7: {  	_ = 	snop  }
0xc8: {  	[tilespmem:s24], [sflag:$0x1] =	stream.indirect_vreg.gather [hbm4b:s5+s2], $0x80, v7, vm0, $0xb8;
	[tilespmem:$0x10080] =	vst v63  }
0xc9: {  	_ = 	snop  }
0xca: {  	[tilespmem:s25], [sflag:$0x1] =	stream.indirect_vreg.gather [hbm4b:s6+s2], $0x80, v7, vm0, $0xb8;
	[tilespmem:$0x10080] =	vst v63  }
0xcb: {  	_ = 	snop  }
0xcc: {  	[tilespmem:s26], [sflag:$0x1] =	stream.indirect_vreg.gather [hbm4b:s7+s2], $0x80, v7, vm0, $0xb8;
	[tilespmem:$0x10080] =	vst v63  }
0xcd: {  	s12 =	sadd.s32 $0x20, s12  }
0xce: {  	[tilespmem:s28], [sflag:$0x1] =	stream.indirect_vreg.gather [hbm4b:s8+s2], $0x80, v7, vm0, $0xb8;
	[tilespmem:$0x10080] =	vst v63  }
0xcf: {  	p0 =	sne.s32 s1, $0x78;
	v8 =	vadd.s32 s12, v0  }
0xd0: {  	v9 =	vshll.u32 v8, $0x4;
	[tilespmem:s29], [sflag:$0x1] =	stream.indirect_vreg.gather [hbm4b:s9+s2], $0x80, v7, vm0, $0xb8;
	[tilespmem:$0x10080] =	vst v63  }
.Ltmp0:
0xd1: {  	v8 =	vand.u32 $0x7, v8;
	v9 =	vand.u32 $0xFFFFFF80, v9;
	(pc) =	sbr.rel @p0 .LBB2_2-.Ltmp0, $4  }
0xd2: {  	v8 =	vor.u32 v8, v9;
	[tilespmem:s15], [sflag:$0x1] =	stream.indirect_vreg.gather [hbm4b:s10+s2], $0x80, v7, vm0, $0xb8;
	[tilespmem:$0x10080] =	vst v63  }
0xd3: {  	s13 =	smov.u32 s1;
	v11 =	vperm.xlane v8, v1;
	v7 =	vld [tilespmem:$0x8000];
	_ =	swait.ge [sflag:s30], $0x8000  }
0xd4: {  	s11 =	smov.u32 s13;
	s13 =	rddreg [dreg:$0x3];
	[sflag:s30] =	ssyncset.done $0x0  }
0xd5: {  	s1 =	sadd.s32 $0x2, s1;
	v6 =	vmax.f32 v6, v10;
	v9 =	vperm.xlane v8, v2;
	v8 =	vadd.s32 v3, v11;
	s0 =	rddreg [dreg:$0x4];
	[sflag:s30] =	ssyncadd.s32 $0xFFFF8000  }
0xd6: {  	_ =	sdelay $0x3  }
0xd7: {  	[tilespmem:s13], [sflag:$0x2] =	stream.indirect_vreg.gather [hbm4b:s3+s2], $0x80, v8, vm0, $0xb8;
	[tilespmem:$0x10080] =	vst v63  }
0xd8: {  	_ = 	snop  }
0xd9: {  	[tilespmem:s0], [sflag:$0x2] =	stream.indirect_vreg.gather [hbm4b:s4+s2], $0x80, v8, vm0, $0xb8;
	[tilespmem:$0x10080] =	vst v63  }
0xda: {  	s1 =	rddreg [dreg:$0x5]  }
0xdb: {  	[tilespmem:s1], [sflag:$0x2] =	stream.indirect_vreg.gather [hbm4b:s5+s2], $0x80, v8, vm0, $0xb8;
	[tilespmem:$0x10080] =	vst v63  }
0xdc: {  	s14 =	rddreg [dreg:$0x6]  }
0xdd: {  	[tilespmem:s14], [sflag:$0x2] =	stream.indirect_vreg.gather [hbm4b:s6+s2], $0x80, v8, vm0, $0xb8;
	[tilespmem:$0x10080] =	vst v63  }
0xde: {  	s12 =	rddreg [dreg:$0x7]  }
0xdf: {  	[tilespmem:s12], [sflag:$0x2] =	stream.indirect_vreg.gather [hbm4b:s7+s2], $0x80, v8, vm0, $0xb8;
	[tilespmem:$0x10080] =	vst v63  }
0xe0: {  	s13 =	rddreg [dreg:$0x8]  }
0xe1: {  	[tilespmem:s13], [sflag:$0x2] =	stream.indirect_vreg.gather [hbm4b:s8+s2], $0x80, v8, vm0, $0xb8;
	[tilespmem:$0x10080] =	vst v63  }
0xe2: {  	v9 =	vadd.s32 v3, v9;
	s14 =	rddreg [dreg:$0x9]  }
0xe3: {  	[tilespmem:s14], [sflag:$0x2] =	stream.indirect_vreg.gather [hbm4b:s9+s2], $0x80, v8, vm0, $0xb8;
	[tilespmem:$0x10080] =	vst v63  }
0xe4: {  	s12 =	rddreg [dreg:$0xa]  }
0xe5: {  	[tilespmem:s12], [sflag:$0x2] =	stream.indirect_vreg.gather [hbm4b:s10+s2], $0x80, v8, vm0, $0xb8;
	[tilespmem:$0x10080] =	vst v63  }
0xe6: {  	s13 =	rddreg [dreg:$0xb]  }
0xe7: {  	[tilespmem:s13], [sflag:$0x2] =	stream.indirect_vreg.gather [hbm4b:s3+s2], $0x80, v9, vm0, $0xb8;
	[tilespmem:$0x10080] =	vst v63  }
0xe8: {  	s14 =	rddreg [dreg:$0xc]  }
0xe9: {  	[tilespmem:s14], [sflag:$0x2] =	stream.indirect_vreg.gather [hbm4b:s4+s2], $0x80, v9, vm0, $0xb8;
	[tilespmem:$0x10080] =	vst v63  }
0xea: {  	s12 =	rddreg [dreg:$0xd]  }
0xeb: {  	[tilespmem:s12], [sflag:$0x2] =	stream.indirect_vreg.gather [hbm4b:s5+s2], $0x80, v9, vm0, $0xb8;
	[tilespmem:$0x10080] =	vst v63  }
0xec: {  	s13 =	rddreg [dreg:$0xe]  }
0xed: {  	[tilespmem:s13], [sflag:$0x2] =	stream.indirect_vreg.gather [hbm4b:s6+s2], $0x80, v9, vm0, $0xb8;
	[tilespmem:$0x10080] =	vst v63  }
0xee: {  	s14 =	rddreg [dreg:$0xf]  }
0xef: {  	[tilespmem:s14], [sflag:$0x2] =	stream.indirect_vreg.gather [hbm4b:s7+s2], $0x80, v9, vm0, $0xb8;
	[tilespmem:$0x10080] =	vst v63  }
0xf0: {  	s12 =	rddreg [dreg:$0x10]  }
0xf1: {  	[tilespmem:s12], [sflag:$0x2] =	stream.indirect_vreg.gather [hbm4b:s8+s2], $0x80, v9, vm0, $0xb8;
	[tilespmem:$0x10080] =	vst v63  }
0xf2: {  	s13 =	rddreg [dreg:$0x11]  }
0xf3: {  	[tilespmem:s13], [sflag:$0x2] =	stream.indirect_vreg.gather [hbm4b:s9+s2], $0x80, v9, vm0, $0xb8;
	[tilespmem:$0x10080] =	vst v63  }
0xf4: {  	s14 =	rddreg [dreg:$0x12]  }
0xf5: {  	[tilespmem:s14], [sflag:$0x2] =	stream.indirect_vreg.gather [hbm4b:s10+s2], $0x80, v9, vm0, $0xb8;
	[tilespmem:$0x10080] =	vst v63  }
0xf6: {  	s13 =	smin.u32 s11, $0x77;
	v8 =	vld [tilespmem:$0x0];
	_ =	swait.ge [sflag:s31], $0x8000  }
0xf7: {  	s1 =	sshll.u32 s13, $0x4;
	s12 =	rddreg [dreg:$0x2]  }
0xf8: {  	s0 =	sadd.s32 s1, s12  }
0xf9: {  	v63 =	vadd.s32 s0, v0  }
0xfa: {  	v10 =	vshll.u32 v63, $0x4  }
0xfb: {  	v9 =	vand.u32 $0x7, v63;
	v10 =	vand.u32 $0xFFFFFF80, v10  }
0xfc: {  	v9 =	vor.u32 v9, v10  }
0xfd: {  	v10 =	vperm.xlane v9, v1;
	_ =	sdelay $0x1  }
0xfe: {  	v10 =	vadd.s32 v3, v10;
	_ =	sdelay $0x2  }
0xff: {  	[sflag:s31] =	ssyncset.done $0x0  }
0x100: {  	[sflag:s31] =	ssyncadd.s32 $0xFFFF8000  }
0x101: {  	[tilespmem:s2], [sflag:$0x1] =	stream.indirect_vreg.gather [hbm4b:s3+s2], $0x80, v10, vm0, $0xb8;
	[tilespmem:$0x10080] =	vst v63  }
0x102: {  	s14 =	simm.s32 $0x800  }
0x103: {  	[tilespmem:s14], [sflag:$0x1] =	stream.indirect_vreg.gather [hbm4b:s4+s2], $0x80, v10, vm0, $0xb8;
	[tilespmem:$0x10080] =	vst v63  }
0x104: {  	_ = 	snop  }
0x105: {  	[tilespmem:s16], [sflag:$0x1] =	stream.indirect_vreg.gather [hbm4b:s5+s2], $0x80, v10, vm0, $0xb8;
	[tilespmem:$0x10080] =	vst v63  }
0x106: {  	_ = 	snop  }
0x107: {  	[tilespmem:s17], [sflag:$0x1] =	stream.indirect_vreg.gather [hbm4b:s6+s2], $0x80, v10, vm0, $0xb8;
	[tilespmem:$0x10080] =	vst v63  }
0x108: {  	_ = 	snop  }
0x109: {  	[tilespmem:s18], [sflag:$0x1] =	stream.indirect_vreg.gather [hbm4b:s7+s2], $0x80, v10, vm0, $0xb8;
	[tilespmem:$0x10080] =	vst v63  }
0x10a: {  	v9 =	vperm.xlane v9, v2  }
0x10b: {  	[tilespmem:s19], [sflag:$0x1] =	stream.indirect_vreg.gather [hbm4b:s8+s2], $0x80, v10, vm0, $0xb8;
	[tilespmem:$0x10080] =	vst v63  }
0x10c: {  	v9 =	vadd.s32 v3, v9  }
0x10d: {  	[tilespmem:s20], [sflag:$0x1] =	stream.indirect_vreg.gather [hbm4b:s9+s2], $0x80, v10, vm0, $0xb8;
	[tilespmem:$0x10080] =	vst v63  }
0x10e: {  	_ = 	snop  }
0x10f: {  	[tilespmem:s21], [sflag:$0x1] =	stream.indirect_vreg.gather [hbm4b:s10+s2], $0x80, v10, vm0, $0xb8;
	[tilespmem:$0x10080] =	vst v63  }
0x110: {  	_ = 	snop  }
0x111: {  	[tilespmem:s22], [sflag:$0x1] =	stream.indirect_vreg.gather [hbm4b:s3+s2], $0x80, v9, vm0, $0xb8;
	[tilespmem:$0x10080] =	vst v63  }
0x112: {  	_ = 	snop  }
0x113: {  	[tilespmem:s23], [sflag:$0x1] =	stream.indirect_vreg.gather [hbm4b:s4+s2], $0x80, v9, vm0, $0xb8;
	[tilespmem:$0x10080] =	vst v63  }
0x114: {  	_ = 	snop  }
0x115: {  	[tilespmem:s24], [sflag:$0x1] =	stream.indirect_vreg.gather [hbm4b:s5+s2], $0x80, v9, vm0, $0xb8;
	[tilespmem:$0x10080] =	vst v63  }
0x116: {  	_ = 	snop  }
0x117: {  	[tilespmem:s25], [sflag:$0x1] =	stream.indirect_vreg.gather [hbm4b:s6+s2], $0x80, v9, vm0, $0xb8;
	[tilespmem:$0x10080] =	vst v63  }
0x118: {  	_ = 	snop  }
0x119: {  	[tilespmem:s26], [sflag:$0x1] =	stream.indirect_vreg.gather [hbm4b:s7+s2], $0x80, v9, vm0, $0xb8;
	[tilespmem:$0x10080] =	vst v63  }
0x11a: {  	_ = 	snop  }
0x11b: {  	[tilespmem:s28], [sflag:$0x1] =	stream.indirect_vreg.gather [hbm4b:s8+s2], $0x80, v9, vm0, $0xb8;
	[tilespmem:$0x10080] =	vst v63  }
0x11c: {  	_ = 	snop  }
0x11d: {  	[tilespmem:s29], [sflag:$0x1] =	stream.indirect_vreg.gather [hbm4b:s9+s2], $0x80, v9, vm0, $0xb8;
	[tilespmem:$0x10080] =	vst v63  }
0x11e: {  	_ = 	snop  }
0x11f: {  	[tilespmem:s15], [sflag:$0x1] =	stream.indirect_vreg.gather [hbm4b:s10+s2], $0x80, v9, vm0, $0xb8;
	[tilespmem:$0x10080] =	vst v63  }
0x120: {  	v9 =	vld [tilespmem:$0x8000];
	_ =	sdelay $0x2  }
0x121: {  	v6 =	vmax.f32 v6, v7;
	_ =	swait.ge [sflag:s30], $0x8000  }
0x122: {  	v6 =	vmax.f32 v6, v8;
	[sflag:s30] =	ssyncset.done $0x0  }
0x123: {  	[sflag:s30] =	ssyncadd.s32 $0xFFFF8000;
	v6 =	vmax.f32 v6, v9  }
0x124: {  	s25 =	simm.s32 $0x10000;
	s26 =	simm.s32 $0x3;
	s24 =	rddreg [dreg:$0x13];
	[tilespmem:$0x10000] =	vst v6  }
0x125: {  	[hbm4b:s24+s2] =	stream.linear.scatter [tilespmem:s25], [sflag:$0x3], $0x80, $0x38;
	[tilespmem:$0x10080] =	vst v63  }
0x126: {  	_ =	swait.ge [sflag:s26], $0x80  }
0x127: {  	s28 =	rddreg [dreg:$0x16]  }
0x128: {  	s29 =	rddreg [dreg:$0x14];
	s11 =	sadd.s32 $0x1, s28  }
0x129: {  	p0 =	sne.s32 s11, s29  }
.Ltmp1:
0x12a: {  	_ = 	snop;
	(pc) =	sbr.rel @p0 .LBB2_1-.Ltmp1, $3  }
0x12b: {  	_ =	sdelay $0x1  }
0x12c: {  	[sflag:s26] =	ssyncset.done $0x0  }
0x12d: {  	[sflag:s26] =	ssyncadd.s32 $0xFFFFFF80  }
0x12e: {  	_ =	sfence.sel $0x180000  }
0x12f: {  	[bflag:$0x0] =	sbarrier.arrive $0xFFFF  }
0x130: {  	_ =	strace $0x90000047  }
0x131: {  	s0 =	stileid.u32;
	[bflag:$0x2] =	sbarrier.arrive $0xFFFF  }
0x132: {  	p0 =	sne.s32 s0, $0x0;
	s0 =	rddreg [dreg:$0x1]  }
0x133: {  	s0 =	sadd.s32 @!p0 $0x100000, s0  }
0x134: {  	[sflag:s0] =	ssyncadd.tile.s32 @!p0 $0x1;
	_ =	shalt  }
.Lfunc_end2:
_tile_overlayer_lowered:
.L_overlay_start_2:
0x135: {  	(tag) =	ssettag $0x2  }
0x136: {  	s0 =	rddreg [dreg:$0x0];
	s2 =	stileid.u32  }
0x137: {  	s1 =	rddreg [dreg:$0x1];
	p0 =	sne.s32 s2, $0x0  }
0x138: {  	s3 =	rddreg [dreg:$0x2];
	[bflag:$0x3] =	sbarrier.arrive $0xFFFF;
	s2 =	simm.s32 @!p0 $0x1C03  }
0x139: {  	[timem:s3], [sflag:s2] =	dma.local @!p0 [hbm:s0], s1  }
0x13a: {  	s0 =	simm.s32 @!p0 $0x3  }
0x13b: {  	_ =	swait.ge @!p0 [sflag:s0], s1  }
0x13c: {  	s1 =	ssub.s32 @!p0 $0x0, s1;
	[sflag:s0] =	ssyncset.done @!p0 $0x0  }
0x13d: {  	[sflag:s0] =	ssyncadd.s32 @!p0 s1  }
0x13e: {  	[bflag:$0x3] =	sbarrier.arrive $0xFFFF  }
0x13f: {  	_ =	shalt  }

</sc_bundles>
